<compile_context>
chip_gen: v7x
topology: tpu7x:2x2x1
jax: 0.10.2.dev20260603
libtpu: 0.0.44.dev20260713+nightly
codegen_flags: <defaults>
</compile_context>

<pallas_src>
import functools

import jax
import jax.numpy as jnp
from jax import lax
from jax.experimental import pallas as pl
from jax.experimental.pallas import tpu as pltpu
from jax.experimental.pallas import tpu_sc as plsc

EMBED = 32
BATCH = 16384
HALF = BATCH // 2
H1 = 256
H2 = 64
USER_VOCAB = 943
MOVIE_VOCAB = 1682

_NC = 2
_NS = 16
_NW = _NC * _NS
_BPW = BATCH // _NW
_CHUNK = 128
_NCHUNK = _BPW // _CHUNK
_LANES = 16


def _gather_body(uid_hbm, mid_hbm, tab_hbm, x_hbm,
                 uidx_v, midx_v, urows_v, mrows_v, sem, wsem):
    wid = lax.axis_index("s") * _NC + lax.axis_index("c")
    half = wid // 16
    rows = (wid % 16) * _BPW
    base = half * HALF + rows
    col = 64 * half
    pltpu.sync_copy(uid_hbm.at[pl.ds(base, _BPW)], uidx_v)
    pltpu.sync_copy(mid_hbm.at[pl.ds(base, _BPW)], midx_v)
    utab_s = tab_hbm.at[pl.ds(1, USER_VOCAB)]
    mtab_s = tab_hbm.at[pl.ds(USER_VOCAB + 2, MOVIE_VOCAB)]
    copies = []
    for j in range(_NCHUNK):
        sl = pl.ds(j * _CHUNK, _CHUNK)
        copies.append(pltpu.async_copy(utab_s.at[uidx_v.at[sl]], urows_v.at[sl], sem))
        copies.append(pltpu.async_copy(mtab_s.at[midx_v.at[sl]], mrows_v.at[sl], sem))
    for c in copies:
        c.wait()
    cw_u = pltpu.async_copy(urows_v, x_hbm.at[pl.ds(rows, _BPW), pl.ds(col, EMBED)], wsem)
    cw_m = pltpu.async_copy(mrows_v, x_hbm.at[pl.ds(rows, _BPW), pl.ds(col + EMBED, EMBED)], wsem)
    cw_u.wait()
    cw_m.wait()


_sc_gather = functools.partial(
    pl.kernel,
    out_type=jax.ShapeDtypeStruct((HALF, 128), jnp.float32),
    mesh=plsc.VectorSubcoreMesh(core_axis_name="c", subcore_axis_name="s"),
    scratch_types=[
        pltpu.VMEM((_BPW,), jnp.int32),
        pltpu.VMEM((_BPW,), jnp.int32),
        pltpu.VMEM((_BPW, EMBED), jnp.float32),
        pltpu.VMEM((_BPW, EMBED), jnp.float32),
        pltpu.SemaphoreType.DMA,
        pltpu.SemaphoreType.DMA,
    ],
    compiler_params=pltpu.CompilerParams(use_tc_tiling_on_sc=False),
)(_gather_body)


_BLK = 2048


def _mlp_body(x_ref, w1_ref, b1_ref, w2_ref, b2_ref, w3_ref, b3_ref, out_ref):
    for half in range(2):
        xh = x_ref[:, pl.ds(64 * half, 64)]
        h = jnp.dot(xh, w1_ref[...], preferred_element_type=jnp.float32)
        h = jnp.maximum(h + b1_ref[...], 0.0)
        h = jnp.maximum(jnp.dot(h, w2_ref[...], preferred_element_type=jnp.float32)
                        + b2_ref[...], 0.0)
        res = jnp.sum(h * w3_ref[...], axis=1) + b3_ref[0, 0]
        out_ref[half] = res.reshape(_BLK // 128, 128)


def _mlp(x, W1, b1, W2, b2, W3, b3):
    grid = (HALF // _BLK,)
    return pl.pallas_call(
        _mlp_body,
        grid=grid,
        in_specs=[
            pl.BlockSpec((_BLK, 128), lambda i: (i, 0)),
            pl.BlockSpec((2 * EMBED, H1), lambda i: (0, 0)),
            pl.BlockSpec((1, H1), lambda i: (0, 0)),
            pl.BlockSpec((H1, H2), lambda i: (0, 0)),
            pl.BlockSpec((1, H2), lambda i: (0, 0)),
            pl.BlockSpec((1, H2), lambda i: (0, 0)),
            pl.BlockSpec((1, 1), lambda i: (0, 0)),
        ],
        out_specs=pl.BlockSpec((2, _BLK // 128, 128), lambda i: (0, i, 0)),
        out_shape=jax.ShapeDtypeStruct((2, HALF // 128, 128), jnp.float32),
    )(x, W1, b1.reshape(1, H1), W2, b2.reshape(1, H2),
      W3.reshape(1, H2), b3.reshape(1, 1))


def kernel(user_id, movie_id, user_table, movie_table, W1, b1, W2, b2, W3, b3):
    uid = user_id.reshape(BATCH).astype(jnp.int32)
    mid = movie_id.reshape(BATCH).astype(jnp.int32)
    tab = jnp.concatenate([user_table.reshape(-1),
                           movie_table.reshape(-1)]).reshape(-1, EMBED)
    x = _sc_gather(uid, mid, tab)
    out = _mlp(x, W1, b1, W2, b2, W3, b3)
    return out.reshape(BATCH, 1, 1)

# --- scband reference (transcript-rebuilt; emitter-appended) ---
"""Pipeline reference for scband-movie-ranking-model-21638045237301 (READ-ONLY COPY).

The authoritative reference and input builder live on the scoring server;
editing this copy changes nothing except your own understanding.
"""

import jax, jax.numpy as jnp
import numpy as np

EMBED_DIM = 32
USER_VOCAB = 943
MOVIE_VOCAB = 1682
BATCH = 16384


def setup_inputs(seed: int = 0) -> dict:
    key = jax.random.key(seed)
    ks = jax.random.split(key, 10)
    user_id = jax.random.randint(ks[0], (BATCH, 1), 0, USER_VOCAB, dtype=jnp.int64 if jax.config.jax_enable_x64 else jnp.int32).astype(jnp.int64) if False else jax.random.randint(ks[0], (BATCH, 1), 0, USER_VOCAB)
    movie_id = jax.random.randint(ks[1], (BATCH, 1), 0, MOVIE_VOCAB)
    # Embedding tables: StringLookup maps id -> index id+1 (index 0 reserved for OOV),
    # so tables have vocab+1 rows.
    user_table = jax.random.normal(ks[2], (USER_VOCAB + 1, EMBED_DIM), dtype=jnp.float32) * 0.05
    movie_table = jax.random.normal(ks[3], (MOVIE_VOCAB + 1, EMBED_DIM), dtype=jnp.float32) * 0.05
    # Ratings MLP: Dense(256, relu) -> Dense(64, relu) -> Dense(1)
    W1 = jax.random.normal(ks[4], (2 * EMBED_DIM, 256), dtype=jnp.float32) * (1.0 / np.sqrt(2 * EMBED_DIM))
    b1 = jnp.zeros((256,), dtype=jnp.float32)
    W2 = jax.random.normal(ks[5], (256, 64), dtype=jnp.float32) * (1.0 / np.sqrt(256))
    b2 = jnp.zeros((64,), dtype=jnp.float32)
    W3 = jax.random.normal(ks[6], (64, 1), dtype=jnp.float32) * (1.0 / np.sqrt(64))
    b3 = jnp.zeros((1,), dtype=jnp.float32)
    return {
        "user_id": user_id,
        "movie_id": movie_id,
        "user_table": user_table,
        "movie_table": movie_table,
        "W1": W1, "b1": b1,
        "W2": W2, "b2": b2,
        "W3": W3, "b3": b3,
    }


def reference(user_id, movie_id, user_table, movie_table, W1, b1, W2, b2, W3, b3):
    # StringLookup: id string -> index id+1 (OOV token occupies index 0)
    user_idx = user_id.astype(jnp.int32) + 1          # [B, 1]
    movie_idx = movie_id.astype(jnp.int32) + 1        # [B, 1]
    user_embedding = jnp.take(user_table, user_idx, axis=0)    # [B, 1, 32]
    movie_embedding = jnp.take(movie_table, movie_idx, axis=0)  # [B, 1, 32]
    h = jnp.concatenate([user_embedding, movie_embedding], axis=2)  # [B, 1, 64]
    h = jax.nn.relu(jnp.dot(h, W1) + b1)
    h = jax.nn.relu(jnp.dot(h, W2) + b2)
    out = jnp.dot(h, W3) + b3                        # [B, 1, 1]
    return out

if __name__ == "__main__":
    import jax
    _d = setup_inputs()
    print(jax.jit(kernel)(*tuple(_d.values())))

</pallas_src>

<mosaic_0001>
#map = affine_map<(d0, d1) -> (0)>
#map1 = affine_map<(d0, d1) -> (0, 0)>
module attributes {stable_mosaic.version = 14 : i64} {
  func.func @_gather_body(%arg0: i32, %arg1: i32, %arg2: memref<16384xi32, #tpu.memory_space<hbm>>, %arg3: memref<16384xi32, #tpu.memory_space<hbm>>, %arg4: memref<2627x32xf32, #tpu.memory_space<hbm>>, %arg5: memref<8192x128xf32, #tpu.memory_space<hbm>>, %arg6: memref<512xi32, #tpu.memory_space<vmem>>, %arg7: memref<512xi32, #tpu.memory_space<vmem>>, %arg8: memref<512x32xf32, #tpu.memory_space<vmem>>, %arg9: memref<512x32xf32, #tpu.memory_space<vmem>>, %arg10: memref<!tpu.dma_semaphore, #tpu.memory_space<semaphore_mem>>, %arg11: memref<!tpu.dma_semaphore, #tpu.memory_space<semaphore_mem>>) attributes {dimension_semantics = [#tpu.dimension_semantics<core_parallel>, #tpu.dimension_semantics<subcore_parallel>], iteration_bounds = array<i64: 2, 16>, scalar_prefetch = 0 : i64, scratch_operands = 6 : i64, tpu.core_type = #tpu.core_type<sc_vector_subcore>, window_params = [{transform_indices = #map}, {transform_indices = #map}, {transform_indices = #map1}, {transform_indices = #map1}]} {
    %mul3A = arith.constant 2 : i32
    %mul3A_0 = arith.muli %arg1, %mul3A : i32
    %add3A = arith.addi %mul3A_0, %arg0 : i32
    %jit3A = arith.constant 16 : i32
    %div3A = arith.divsi %add3A, %jit3A : i32
    %sign3A = arith.constant 0 : i32
    %sign3A_1 = arith.cmpi sgt, %add3A, %sign3A : i32
    %sign3A_2 = arith.extui %sign3A_1 : i1 to i32
    %sign3A_3 = arith.constant 0 : i32
    %sign3A_4 = arith.cmpi slt, %add3A, %sign3A_3 : i32
    %sign3A_5 = arith.extui %sign3A_4 : i1 to i32
    %sign3A_6 = arith.subi %sign3A_2, %sign3A_5 : i32
    %sign3A_7 = arith.constant 0 : i32
    %sign3A_8 = arith.cmpi sgt, %jit3A, %sign3A_7 : i32
    %sign3A_9 = arith.extui %sign3A_8 : i1 to i32
    %sign3A_10 = arith.constant 0 : i32
    %sign3A_11 = arith.cmpi slt, %jit3A, %sign3A_10 : i32
    %sign3A_12 = arith.extui %sign3A_11 : i1 to i32
    %sign3A_13 = arith.subi %sign3A_9, %sign3A_12 : i32
    %ne3A = arith.cmpi ne, %sign3A_6, %sign3A_13 : i32
    %rem3A = arith.remsi %add3A, %jit3A : i32
    %ne3A_14 = arith.constant 0 : i32
    %ne3A_15 = arith.cmpi ne, %rem3A, %ne3A_14 : i32
    %and3A = arith.andi %ne3A, %ne3A_15 : i1
    %sub3A = arith.constant 1 : i32
    %sub3A_16 = arith.subi %div3A, %sub3A : i32
    %select_n3A = arith.select %and3A, %sub3A_16, %div3A : i32
    %jit3A_17 = arith.constant 16 : i32
    %eq3A = arith.constant 0 : i32
    %eq3A_18 = arith.cmpi eq, %jit3A_17, %eq3A : i32
    %jit3A_19 = arith.constant 1 : i32
    %select_n3A_20 = arith.select %eq3A_18, %jit3A_19, %jit3A_17 : i32
    %rem3A_21 = arith.remsi %add3A, %select_n3A_20 : i32
    %ne3A_22 = arith.constant 0 : i32
    %ne3A_23 = arith.cmpi ne, %rem3A_21, %ne3A_22 : i32
    %lt3A = arith.constant 0 : i32
    %lt3A_24 = arith.cmpi slt, %rem3A_21, %lt3A : i32
    %lt3A_25 = arith.constant 0 : i32
    %lt3A_26 = arith.cmpi slt, %select_n3A_20, %lt3A_25 : i32
    %ne3A_27 = arith.xori %lt3A_24, %lt3A_26 : i1
    %and3A_28 = arith.andi %ne3A_27, %ne3A_23 : i1
    %add3A_29 = arith.addi %rem3A_21, %select_n3A_20 : i32
    %select_n3A_30 = arith.select %and3A_28, %add3A_29, %rem3A_21 : i32
    %mul3A_31 = arith.constant 512 : i32
    %mul3A_32 = arith.muli %select_n3A_30, %mul3A_31 : i32
    %mul3A_33 = arith.constant 8192 : i32
    %mul3A_34 = arith.muli %select_n3A, %mul3A_33 : i32
    %add3A_35 = arith.addi %mul3A_34, %mul3A_32 : i32
    %mul3A_36 = arith.constant 64 : i32
    %mul3A_37 = arith.muli %mul3A_36, %select_n3A : i32
    "tpu.region"() ({
      %run_scoped3A = tpu.sem_alloc : memref<!tpu.dma_semaphore, #tpu.memory_space<semaphore_mem>>
      %dma_start3A_222 = tpu.memref_slice %arg2[%add3A_35] : memref<16384xi32, #tpu.memory_space<hbm>> -> memref<512xi32, #tpu.memory_space<hbm>>
      %dma_start3A_223 = tpu.memref_slice %arg2[%add3A_35] : memref<16384xi32, #tpu.memory_space<hbm>> -> memref<512xi32, #tpu.memory_space<hbm>>
      tpu.enqueue_dma source(%dma_start3A_223 : memref<512xi32, #tpu.memory_space<hbm>>) target(%arg6 : memref<512xi32, #tpu.memory_space<vmem>>) target_semaphore(%run_scoped3A : memref<!tpu.dma_semaphore, #tpu.memory_space<semaphore_mem>>)
      %dma_wait3A_224 = tpu.memref_slice %arg2[%add3A_35] : memref<16384xi32, #tpu.memory_space<hbm>> -> memref<512xi32, #tpu.memory_space<hbm>>
      %dma_wait3A_225 = tpu.memref_slice %arg2[%add3A_35] : memref<16384xi32, #tpu.memory_space<hbm>> -> memref<512xi32, #tpu.memory_space<hbm>>
      tpu.wait_dma2 semaphore(%run_scoped3A : memref<!tpu.dma_semaphore, #tpu.memory_space<semaphore_mem>>) src(%dma_wait3A_225 : memref<512xi32, #tpu.memory_space<hbm>>) dst(%arg6 : memref<512xi32, #tpu.memory_space<vmem>>)
      tpu.yield
    }) : () -> ()
    "tpu.region"() ({
      %run_scoped3A = tpu.sem_alloc : memref<!tpu.dma_semaphore, #tpu.memory_space<semaphore_mem>>
      %dma_start3A_222 = tpu.memref_slice %arg3[%add3A_35] : memref<16384xi32, #tpu.memory_space<hbm>> -> memref<512xi32, #tpu.memory_space<hbm>>
      %dma_start3A_223 = tpu.memref_slice %arg3[%add3A_35] : memref<16384xi32, #tpu.memory_space<hbm>> -> memref<512xi32, #tpu.memory_space<hbm>>
      tpu.enqueue_dma source(%dma_start3A_223 : memref<512xi32, #tpu.memory_space<hbm>>) target(%arg7 : memref<512xi32, #tpu.memory_space<vmem>>) target_semaphore(%run_scoped3A : memref<!tpu.dma_semaphore, #tpu.memory_space<semaphore_mem>>)
      %dma_wait3A_224 = tpu.memref_slice %arg3[%add3A_35] : memref<16384xi32, #tpu.memory_space<hbm>> -> memref<512xi32, #tpu.memory_space<hbm>>
      %dma_wait3A_225 = tpu.memref_slice %arg3[%add3A_35] : memref<16384xi32, #tpu.memory_space<hbm>> -> memref<512xi32, #tpu.memory_space<hbm>>
      tpu.wait_dma2 semaphore(%run_scoped3A : memref<!tpu.dma_semaphore, #tpu.memory_space<semaphore_mem>>) src(%dma_wait3A_225 : memref<512xi32, #tpu.memory_space<hbm>>) dst(%arg7 : memref<512xi32, #tpu.memory_space<vmem>>)
      tpu.yield
    }) : () -> ()
    %dma_start3A = arith.constant 0 : i32
    %dma_start3A_38 = arith.constant 0 : i32
    %dma_start3A_39 = tpu.memref_slice %arg8[%dma_start3A, %dma_start3A_38] : memref<512x32xf32, #tpu.memory_space<vmem>> -> memref<128x32xf32, #tpu.memory_space<vmem>>
    %dma_start3A_40 = arith.constant 0 : i32
    %dma_start3A_41 = tpu.memref_slice %arg6[%dma_start3A_40] : memref<512xi32, #tpu.memory_space<vmem>> -> memref<128xi32, #tpu.memory_space<vmem>>
    %dma_start3A_42 = arith.constant 1 : i32
    %dma_start3A_43 = arith.constant 0 : i32
    %dma_start3A_44 = tpu.memref_slice %arg4[%dma_start3A_42, %dma_start3A_43] : memref<2627x32xf32, #tpu.memory_space<hbm>> -> memref<943x32xf32, #tpu.memory_space<hbm>>
    %dma_start3A_45 = arith.constant 0 : i32
    %dma_start3A_46 = arith.constant 0 : i32
    %dma_start3A_47 = tpu.memref_slice %dma_start3A_44[%dma_start3A_45, %dma_start3A_46] : memref<943x32xf32, #tpu.memory_space<hbm>> -> memref<943x32xf32, #tpu.memory_space<hbm>>
    tpu.enqueue_indirect_dma source(%dma_start3A_47 : memref<943x32xf32, #tpu.memory_space<hbm>>) target(%dma_start3A_39 : memref<128x32xf32, #tpu.memory_space<vmem>>) offsets(%dma_start3A_41 : memref<128xi32, #tpu.memory_space<vmem>>) semaphore(%arg10 : memref<!tpu.dma_semaphore, #tpu.memory_space<semaphore_mem>>)
    %dma_start3A_48 = arith.constant 0 : i32
    %dma_start3A_49 = arith.constant 0 : i32
    %dma_start3A_50 = tpu.memref_slice %arg9[%dma_start3A_48, %dma_start3A_49] : memref<512x32xf32, #tpu.memory_space<vmem>> -> memref<128x32xf32, #tpu.memory_space<vmem>>
    %dma_start3A_51 = arith.constant 0 : i32
    %dma_start3A_52 = tpu.memref_slice %arg7[%dma_start3A_51] : memref<512xi32, #tpu.memory_space<vmem>> -> memref<128xi32, #tpu.memory_space<vmem>>
    %dma_start3A_53 = arith.constant 945 : i32
    %dma_start3A_54 = arith.constant 0 : i32
    %dma_start3A_55 = tpu.memref_slice %arg4[%dma_start3A_53, %dma_start3A_54] : memref<2627x32xf32, #tpu.memory_space<hbm>> -> memref<1682x32xf32, #tpu.memory_space<hbm>>
    %dma_start3A_56 = arith.constant 0 : i32
    %dma_start3A_57 = arith.constant 0 : i32
    %dma_start3A_58 = tpu.memref_slice %dma_start3A_55[%dma_start3A_56, %dma_start3A_57] : memref<1682x32xf32, #tpu.memory_space<hbm>> -> memref<1682x32xf32, #tpu.memory_space<hbm>>
    tpu.enqueue_indirect_dma source(%dma_start3A_58 : memref<1682x32xf32, #tpu.memory_space<hbm>>) target(%dma_start3A_50 : memref<128x32xf32, #tpu.memory_space<vmem>>) offsets(%dma_start3A_52 : memref<128xi32, #tpu.memory_space<vmem>>) semaphore(%arg10 : memref<!tpu.dma_semaphore, #tpu.memory_space<semaphore_mem>>)
    %dma_start3A_59 = arith.constant 128 : i32
    %dma_start3A_60 = arith.constant 0 : i32
    %dma_start3A_61 = tpu.memref_slice %arg8[%dma_start3A_59, %dma_start3A_60] : memref<512x32xf32, #tpu.memory_space<vmem>> -> memref<128x32xf32, #tpu.memory_space<vmem>>
    %dma_start3A_62 = arith.constant 128 : i32
    %dma_start3A_63 = tpu.memref_slice %arg6[%dma_start3A_62] : memref<512xi32, #tpu.memory_space<vmem>> -> memref<128xi32, #tpu.memory_space<vmem>>
    %dma_start3A_64 = arith.constant 1 : i32
    %dma_start3A_65 = arith.constant 0 : i32
    %dma_start3A_66 = tpu.memref_slice %arg4[%dma_start3A_64, %dma_start3A_65] : memref<2627x32xf32, #tpu.memory_space<hbm>> -> memref<943x32xf32, #tpu.memory_space<hbm>>
    %dma_start3A_67 = arith.constant 0 : i32
    %dma_start3A_68 = arith.constant 0 : i32
    %dma_start3A_69 = tpu.memref_slice %dma_start3A_66[%dma_start3A_67, %dma_start3A_68] : memref<943x32xf32, #tpu.memory_space<hbm>> -> memref<943x32xf32, #tpu.memory_space<hbm>>
    tpu.enqueue_indirect_dma source(%dma_start3A_69 : memref<943x32xf32, #tpu.memory_space<hbm>>) target(%dma_start3A_61 : memref<128x32xf32, #tpu.memory_space<vmem>>) offsets(%dma_start3A_63 : memref<128xi32, #tpu.memory_space<vmem>>) semaphore(%arg10 : memref<!tpu.dma_semaphore, #tpu.memory_space<semaphore_mem>>)
    %dma_start3A_70 = arith.constant 128 : i32
    %dma_start3A_71 = arith.constant 0 : i32
    %dma_start3A_72 = tpu.memref_slice %arg9[%dma_start3A_70, %dma_start3A_71] : memref<512x32xf32, #tpu.memory_space<vmem>> -> memref<128x32xf32, #tpu.memory_space<vmem>>
    %dma_start3A_73 = arith.constant 128 : i32
    %dma_start3A_74 = tpu.memref_slice %arg7[%dma_start3A_73] : memref<512xi32, #tpu.memory_space<vmem>> -> memref<128xi32, #tpu.memory_space<vmem>>
    %dma_start3A_75 = arith.constant 945 : i32
    %dma_start3A_76 = arith.constant 0 : i32
    %dma_start3A_77 = tpu.memref_slice %arg4[%dma_start3A_75, %dma_start3A_76] : memref<2627x32xf32, #tpu.memory_space<hbm>> -> memref<1682x32xf32, #tpu.memory_space<hbm>>
    %dma_start3A_78 = arith.constant 0 : i32
    %dma_start3A_79 = arith.constant 0 : i32
    %dma_start3A_80 = tpu.memref_slice %dma_start3A_77[%dma_start3A_78, %dma_start3A_79] : memref<1682x32xf32, #tpu.memory_space<hbm>> -> memref<1682x32xf32, #tpu.memory_space<hbm>>
    tpu.enqueue_indirect_dma source(%dma_start3A_80 : memref<1682x32xf32, #tpu.memory_space<hbm>>) target(%dma_start3A_72 : memref<128x32xf32, #tpu.memory_space<vmem>>) offsets(%dma_start3A_74 : memref<128xi32, #tpu.memory_space<vmem>>) semaphore(%arg10 : memref<!tpu.dma_semaphore, #tpu.memory_space<semaphore_mem>>)
    %dma_start3A_81 = arith.constant 256 : i32
    %dma_start3A_82 = arith.constant 0 : i32
    %dma_start3A_83 = tpu.memref_slice %arg8[%dma_start3A_81, %dma_start3A_82] : memref<512x32xf32, #tpu.memory_space<vmem>> -> memref<128x32xf32, #tpu.memory_space<vmem>>
    %dma_start3A_84 = arith.constant 256 : i32
    %dma_start3A_85 = tpu.memref_slice %arg6[%dma_start3A_84] : memref<512xi32, #tpu.memory_space<vmem>> -> memref<128xi32, #tpu.memory_space<vmem>>
    %dma_start3A_86 = arith.constant 1 : i32
    %dma_start3A_87 = arith.constant 0 : i32
    %dma_start3A_88 = tpu.memref_slice %arg4[%dma_start3A_86, %dma_start3A_87] : memref<2627x32xf32, #tpu.memory_space<hbm>> -> memref<943x32xf32, #tpu.memory_space<hbm>>
    %dma_start3A_89 = arith.constant 0 : i32
    %dma_start3A_90 = arith.constant 0 : i32
    %dma_start3A_91 = tpu.memref_slice %dma_start3A_88[%dma_start3A_89, %dma_start3A_90] : memref<943x32xf32, #tpu.memory_space<hbm>> -> memref<943x32xf32, #tpu.memory_space<hbm>>
    tpu.enqueue_indirect_dma source(%dma_start3A_91 : memref<943x32xf32, #tpu.memory_space<hbm>>) target(%dma_start3A_83 : memref<128x32xf32, #tpu.memory_space<vmem>>) offsets(%dma_start3A_85 : memref<128xi32, #tpu.memory_space<vmem>>) semaphore(%arg10 : memref<!tpu.dma_semaphore, #tpu.memory_space<semaphore_mem>>)
    %dma_start3A_92 = arith.constant 256 : i32
    %dma_start3A_93 = arith.constant 0 : i32
    %dma_start3A_94 = tpu.memref_slice %arg9[%dma_start3A_92, %dma_start3A_93] : memref<512x32xf32, #tpu.memory_space<vmem>> -> memref<128x32xf32, #tpu.memory_space<vmem>>
    %dma_start3A_95 = arith.constant 256 : i32
    %dma_start3A_96 = tpu.memref_slice %arg7[%dma_start3A_95] : memref<512xi32, #tpu.memory_space<vmem>> -> memref<128xi32, #tpu.memory_space<vmem>>
    %dma_start3A_97 = arith.constant 945 : i32
    %dma_start3A_98 = arith.constant 0 : i32
    %dma_start3A_99 = tpu.memref_slice %arg4[%dma_start3A_97, %dma_start3A_98] : memref<2627x32xf32, #tpu.memory_space<hbm>> -> memref<1682x32xf32, #tpu.memory_space<hbm>>
    %dma_start3A_100 = arith.constant 0 : i32
    %dma_start3A_101 = arith.constant 0 : i32
    %dma_start3A_102 = tpu.memref_slice %dma_start3A_99[%dma_start3A_100, %dma_start3A_101] : memref<1682x32xf32, #tpu.memory_space<hbm>> -> memref<1682x32xf32, #tpu.memory_space<hbm>>
    tpu.enqueue_indirect_dma source(%dma_start3A_102 : memref<1682x32xf32, #tpu.memory_space<hbm>>) target(%dma_start3A_94 : memref<128x32xf32, #tpu.memory_space<vmem>>) offsets(%dma_start3A_96 : memref<128xi32, #tpu.memory_space<vmem>>) semaphore(%arg10 : memref<!tpu.dma_semaphore, #tpu.memory_space<semaphore_mem>>)
    %dma_start3A_103 = arith.constant 384 : i32
    %dma_start3A_104 = arith.constant 0 : i32
    %dma_start3A_105 = tpu.memref_slice %arg8[%dma_start3A_103, %dma_start3A_104] : memref<512x32xf32, #tpu.memory_space<vmem>> -> memref<128x32xf32, #tpu.memory_space<vmem>>
    %dma_start3A_106 = arith.constant 384 : i32
    %dma_start3A_107 = tpu.memref_slice %arg6[%dma_start3A_106] : memref<512xi32, #tpu.memory_space<vmem>> -> memref<128xi32, #tpu.memory_space<vmem>>
    %dma_start3A_108 = arith.constant 1 : i32
    %dma_start3A_109 = arith.constant 0 : i32
    %dma_start3A_110 = tpu.memref_slice %arg4[%dma_start3A_108, %dma_start3A_109] : memref<2627x32xf32, #tpu.memory_space<hbm>> -> memref<943x32xf32, #tpu.memory_space<hbm>>
    %dma_start3A_111 = arith.constant 0 : i32
    %dma_start3A_112 = arith.constant 0 : i32
    %dma_start3A_113 = tpu.memref_slice %dma_start3A_110[%dma_start3A_111, %dma_start3A_112] : memref<943x32xf32, #tpu.memory_space<hbm>> -> memref<943x32xf32, #tpu.memory_space<hbm>>
    tpu.enqueue_indirect_dma source(%dma_start3A_113 : memref<943x32xf32, #tpu.memory_space<hbm>>) target(%dma_start3A_105 : memref<128x32xf32, #tpu.memory_space<vmem>>) offsets(%dma_start3A_107 : memref<128xi32, #tpu.memory_space<vmem>>) semaphore(%arg10 : memref<!tpu.dma_semaphore, #tpu.memory_space<semaphore_mem>>)
    %dma_start3A_114 = arith.constant 384 : i32
    %dma_start3A_115 = arith.constant 0 : i32
    %dma_start3A_116 = tpu.memref_slice %arg9[%dma_start3A_114, %dma_start3A_115] : memref<512x32xf32, #tpu.memory_space<vmem>> -> memref<128x32xf32, #tpu.memory_space<vmem>>
    %dma_start3A_117 = arith.constant 384 : i32
    %dma_start3A_118 = tpu.memref_slice %arg7[%dma_start3A_117] : memref<512xi32, #tpu.memory_space<vmem>> -> memref<128xi32, #tpu.memory_space<vmem>>
    %dma_start3A_119 = arith.constant 945 : i32
    %dma_start3A_120 = arith.constant 0 : i32
    %dma_start3A_121 = tpu.memref_slice %arg4[%dma_start3A_119, %dma_start3A_120] : memref<2627x32xf32, #tpu.memory_space<hbm>> -> memref<1682x32xf32, #tpu.memory_space<hbm>>
    %dma_start3A_122 = arith.constant 0 : i32
    %dma_start3A_123 = arith.constant 0 : i32
    %dma_start3A_124 = tpu.memref_slice %dma_start3A_121[%dma_start3A_122, %dma_start3A_123] : memref<1682x32xf32, #tpu.memory_space<hbm>> -> memref<1682x32xf32, #tpu.memory_space<hbm>>
    tpu.enqueue_indirect_dma source(%dma_start3A_124 : memref<1682x32xf32, #tpu.memory_space<hbm>>) target(%dma_start3A_116 : memref<128x32xf32, #tpu.memory_space<vmem>>) offsets(%dma_start3A_118 : memref<128xi32, #tpu.memory_space<vmem>>) semaphore(%arg10 : memref<!tpu.dma_semaphore, #tpu.memory_space<semaphore_mem>>)
    %dma_wait3A = arith.constant 0 : i32
    %dma_wait3A_125 = arith.constant 0 : i32
    %dma_wait3A_126 = tpu.memref_slice %arg8[%dma_wait3A, %dma_wait3A_125] : memref<512x32xf32, #tpu.memory_space<vmem>> -> memref<128x32xf32, #tpu.memory_space<vmem>>
    %dma_wait3A_127 = arith.constant 0 : i32
    %dma_wait3A_128 = tpu.memref_slice %arg6[%dma_wait3A_127] : memref<512xi32, #tpu.memory_space<vmem>> -> memref<128xi32, #tpu.memory_space<vmem>>
    %dma_wait3A_129 = arith.constant 1 : i32
    %dma_wait3A_130 = arith.constant 0 : i32
    %dma_wait3A_131 = tpu.memref_slice %arg4[%dma_wait3A_129, %dma_wait3A_130] : memref<2627x32xf32, #tpu.memory_space<hbm>> -> memref<943x32xf32, #tpu.memory_space<hbm>>
    %dma_wait3A_132 = arith.constant 0 : i32
    %dma_wait3A_133 = arith.constant 0 : i32
    %dma_wait3A_134 = tpu.memref_slice %dma_wait3A_131[%dma_wait3A_132, %dma_wait3A_133] : memref<943x32xf32, #tpu.memory_space<hbm>> -> memref<943x32xf32, #tpu.memory_space<hbm>>
    tpu.wait_indirect_dma semaphore(%arg10 : memref<!tpu.dma_semaphore, #tpu.memory_space<semaphore_mem>>) src(%dma_wait3A_134 : memref<943x32xf32, #tpu.memory_space<hbm>>) dst(%dma_wait3A_126 : memref<128x32xf32, #tpu.memory_space<vmem>>)
    %dma_wait3A_135 = arith.constant 0 : i32
    %dma_wait3A_136 = arith.constant 0 : i32
    %dma_wait3A_137 = tpu.memref_slice %arg9[%dma_wait3A_135, %dma_wait3A_136] : memref<512x32xf32, #tpu.memory_space<vmem>> -> memref<128x32xf32, #tpu.memory_space<vmem>>
    %dma_wait3A_138 = arith.constant 0 : i32
    %dma_wait3A_139 = tpu.memref_slice %arg7[%dma_wait3A_138] : memref<512xi32, #tpu.memory_space<vmem>> -> memref<128xi32, #tpu.memory_space<vmem>>
    %dma_wait3A_140 = arith.constant 945 : i32
    %dma_wait3A_141 = arith.constant 0 : i32
    %dma_wait3A_142 = tpu.memref_slice %arg4[%dma_wait3A_140, %dma_wait3A_141] : memref<2627x32xf32, #tpu.memory_space<hbm>> -> memref<1682x32xf32, #tpu.memory_space<hbm>>
    %dma_wait3A_143 = arith.constant 0 : i32
    %dma_wait3A_144 = arith.constant 0 : i32
    %dma_wait3A_145 = tpu.memref_slice %dma_wait3A_142[%dma_wait3A_143, %dma_wait3A_144] : memref<1682x32xf32, #tpu.memory_space<hbm>> -> memref<1682x32xf32, #tpu.memory_space<hbm>>
    tpu.wait_indirect_dma semaphore(%arg10 : memref<!tpu.dma_semaphore, #tpu.memory_space<semaphore_mem>>) src(%dma_wait3A_145 : memref<1682x32xf32, #tpu.memory_space<hbm>>) dst(%dma_wait3A_137 : memref<128x32xf32, #tpu.memory_space<vmem>>)
    %dma_wait3A_146 = arith.constant 128 : i32
    %dma_wait3A_147 = arith.constant 0 : i32
    %dma_wait3A_148 = tpu.memref_slice %arg8[%dma_wait3A_146, %dma_wait3A_147] : memref<512x32xf32, #tpu.memory_space<vmem>> -> memref<128x32xf32, #tpu.memory_space<vmem>>
    %dma_wait3A_149 = arith.constant 128 : i32
    %dma_wait3A_150 = tpu.memref_slice %arg6[%dma_wait3A_149] : memref<512xi32, #tpu.memory_space<vmem>> -> memref<128xi32, #tpu.memory_space<vmem>>
    %dma_wait3A_151 = arith.constant 1 : i32
    %dma_wait3A_152 = arith.constant 0 : i32
    %dma_wait3A_153 = tpu.memref_slice %arg4[%dma_wait3A_151, %dma_wait3A_152] : memref<2627x32xf32, #tpu.memory_space<hbm>> -> memref<943x32xf32, #tpu.memory_space<hbm>>
    %dma_wait3A_154 = arith.constant 0 : i32
    %dma_wait3A_155 = arith.constant 0 : i32
    %dma_wait3A_156 = tpu.memref_slice %dma_wait3A_153[%dma_wait3A_154, %dma_wait3A_155] : memref<943x32xf32, #tpu.memory_space<hbm>> -> memref<943x32xf32, #tpu.memory_space<hbm>>
    tpu.wait_indirect_dma semaphore(%arg10 : memref<!tpu.dma_semaphore, #tpu.memory_space<semaphore_mem>>) src(%dma_wait3A_156 : memref<943x32xf32, #tpu.memory_space<hbm>>) dst(%dma_wait3A_148 : memref<128x32xf32, #tpu.memory_space<vmem>>)
    %dma_wait3A_157 = arith.constant 128 : i32
    %dma_wait3A_158 = arith.constant 0 : i32
    %dma_wait3A_159 = tpu.memref_slice %arg9[%dma_wait3A_157, %dma_wait3A_158] : memref<512x32xf32, #tpu.memory_space<vmem>> -> memref<128x32xf32, #tpu.memory_space<vmem>>
    %dma_wait3A_160 = arith.constant 128 : i32
    %dma_wait3A_161 = tpu.memref_slice %arg7[%dma_wait3A_160] : memref<512xi32, #tpu.memory_space<vmem>> -> memref<128xi32, #tpu.memory_space<vmem>>
    %dma_wait3A_162 = arith.constant 945 : i32
    %dma_wait3A_163 = arith.constant 0 : i32
    %dma_wait3A_164 = tpu.memref_slice %arg4[%dma_wait3A_162, %dma_wait3A_163] : memref<2627x32xf32, #tpu.memory_space<hbm>> -> memref<1682x32xf32, #tpu.memory_space<hbm>>
    %dma_wait3A_165 = arith.constant 0 : i32
    %dma_wait3A_166 = arith.constant 0 : i32
    %dma_wait3A_167 = tpu.memref_slice %dma_wait3A_164[%dma_wait3A_165, %dma_wait3A_166] : memref<1682x32xf32, #tpu.memory_space<hbm>> -> memref<1682x32xf32, #tpu.memory_space<hbm>>
    tpu.wait_indirect_dma semaphore(%arg10 : memref<!tpu.dma_semaphore, #tpu.memory_space<semaphore_mem>>) src(%dma_wait3A_167 : memref<1682x32xf32, #tpu.memory_space<hbm>>) dst(%dma_wait3A_159 : memref<128x32xf32, #tpu.memory_space<vmem>>)
    %dma_wait3A_168 = arith.constant 256 : i32
    %dma_wait3A_169 = arith.constant 0 : i32
    %dma_wait3A_170 = tpu.memref_slice %arg8[%dma_wait3A_168, %dma_wait3A_169] : memref<512x32xf32, #tpu.memory_space<vmem>> -> memref<128x32xf32, #tpu.memory_space<vmem>>
    %dma_wait3A_171 = arith.constant 256 : i32
    %dma_wait3A_172 = tpu.memref_slice %arg6[%dma_wait3A_171] : memref<512xi32, #tpu.memory_space<vmem>> -> memref<128xi32, #tpu.memory_space<vmem>>
    %dma_wait3A_173 = arith.constant 1 : i32
    %dma_wait3A_174 = arith.constant 0 : i32
    %dma_wait3A_175 = tpu.memref_slice %arg4[%dma_wait3A_173, %dma_wait3A_174] : memref<2627x32xf32, #tpu.memory_space<hbm>> -> memref<943x32xf32, #tpu.memory_space<hbm>>
    %dma_wait3A_176 = arith.constant 0 : i32
    %dma_wait3A_177 = arith.constant 0 : i32
    %dma_wait3A_178 = tpu.memref_slice %dma_wait3A_175[%dma_wait3A_176, %dma_wait3A_177] : memref<943x32xf32, #tpu.memory_space<hbm>> -> memref<943x32xf32, #tpu.memory_space<hbm>>
    tpu.wait_indirect_dma semaphore(%arg10 : memref<!tpu.dma_semaphore, #tpu.memory_space<semaphore_mem>>) src(%dma_wait3A_178 : memref<943x32xf32, #tpu.memory_space<hbm>>) dst(%dma_wait3A_170 : memref<128x32xf32, #tpu.memory_space<vmem>>)
    %dma_wait3A_179 = arith.constant 256 : i32
    %dma_wait3A_180 = arith.constant 0 : i32
    %dma_wait3A_181 = tpu.memref_slice %arg9[%dma_wait3A_179, %dma_wait3A_180] : memref<512x32xf32, #tpu.memory_space<vmem>> -> memref<128x32xf32, #tpu.memory_space<vmem>>
    %dma_wait3A_182 = arith.constant 256 : i32
    %dma_wait3A_183 = tpu.memref_slice %arg7[%dma_wait3A_182] : memref<512xi32, #tpu.memory_space<vmem>> -> memref<128xi32, #tpu.memory_space<vmem>>
    %dma_wait3A_184 = arith.constant 945 : i32
    %dma_wait3A_185 = arith.constant 0 : i32
    %dma_wait3A_186 = tpu.memref_slice %arg4[%dma_wait3A_184, %dma_wait3A_185] : memref<2627x32xf32, #tpu.memory_space<hbm>> -> memref<1682x32xf32, #tpu.memory_space<hbm>>
    %dma_wait3A_187 = arith.constant 0 : i32
    %dma_wait3A_188 = arith.constant 0 : i32
    %dma_wait3A_189 = tpu.memref_slice %dma_wait3A_186[%dma_wait3A_187, %dma_wait3A_188] : memref<1682x32xf32, #tpu.memory_space<hbm>> -> memref<1682x32xf32, #tpu.memory_space<hbm>>
    tpu.wait_indirect_dma semaphore(%arg10 : memref<!tpu.dma_semaphore, #tpu.memory_space<semaphore_mem>>) src(%dma_wait3A_189 : memref<1682x32xf32, #tpu.memory_space<hbm>>) dst(%dma_wait3A_181 : memref<128x32xf32, #tpu.memory_space<vmem>>)
    %dma_wait3A_190 = arith.constant 384 : i32
    %dma_wait3A_191 = arith.constant 0 : i32
    %dma_wait3A_192 = tpu.memref_slice %arg8[%dma_wait3A_190, %dma_wait3A_191] : memref<512x32xf32, #tpu.memory_space<vmem>> -> memref<128x32xf32, #tpu.memory_space<vmem>>
    %dma_wait3A_193 = arith.constant 384 : i32
    %dma_wait3A_194 = tpu.memref_slice %arg6[%dma_wait3A_193] : memref<512xi32, #tpu.memory_space<vmem>> -> memref<128xi32, #tpu.memory_space<vmem>>
    %dma_wait3A_195 = arith.constant 1 : i32
    %dma_wait3A_196 = arith.constant 0 : i32
    %dma_wait3A_197 = tpu.memref_slice %arg4[%dma_wait3A_195, %dma_wait3A_196] : memref<2627x32xf32, #tpu.memory_space<hbm>> -> memref<943x32xf32, #tpu.memory_space<hbm>>
    %dma_wait3A_198 = arith.constant 0 : i32
    %dma_wait3A_199 = arith.constant 0 : i32
    %dma_wait3A_200 = tpu.memref_slice %dma_wait3A_197[%dma_wait3A_198, %dma_wait3A_199] : memref<943x32xf32, #tpu.memory_space<hbm>> -> memref<943x32xf32, #tpu.memory_space<hbm>>
    tpu.wait_indirect_dma semaphore(%arg10 : memref<!tpu.dma_semaphore, #tpu.memory_space<semaphore_mem>>) src(%dma_wait3A_200 : memref<943x32xf32, #tpu.memory_space<hbm>>) dst(%dma_wait3A_192 : memref<128x32xf32, #tpu.memory_space<vmem>>)
    %dma_wait3A_201 = arith.constant 384 : i32
    %dma_wait3A_202 = arith.constant 0 : i32
    %dma_wait3A_203 = tpu.memref_slice %arg9[%dma_wait3A_201, %dma_wait3A_202] : memref<512x32xf32, #tpu.memory_space<vmem>> -> memref<128x32xf32, #tpu.memory_space<vmem>>
    %dma_wait3A_204 = arith.constant 384 : i32
    %dma_wait3A_205 = tpu.memref_slice %arg7[%dma_wait3A_204] : memref<512xi32, #tpu.memory_space<vmem>> -> memref<128xi32, #tpu.memory_space<vmem>>
    %dma_wait3A_206 = arith.constant 945 : i32
    %dma_wait3A_207 = arith.constant 0 : i32
    %dma_wait3A_208 = tpu.memref_slice %arg4[%dma_wait3A_206, %dma_wait3A_207] : memref<2627x32xf32, #tpu.memory_space<hbm>> -> memref<1682x32xf32, #tpu.memory_space<hbm>>
    %dma_wait3A_209 = arith.constant 0 : i32
    %dma_wait3A_210 = arith.constant 0 : i32
    %dma_wait3A_211 = tpu.memref_slice %dma_wait3A_208[%dma_wait3A_209, %dma_wait3A_210] : memref<1682x32xf32, #tpu.memory_space<hbm>> -> memref<1682x32xf32, #tpu.memory_space<hbm>>
    tpu.wait_indirect_dma semaphore(%arg10 : memref<!tpu.dma_semaphore, #tpu.memory_space<semaphore_mem>>) src(%dma_wait3A_211 : memref<1682x32xf32, #tpu.memory_space<hbm>>) dst(%dma_wait3A_203 : memref<128x32xf32, #tpu.memory_space<vmem>>)
    %dma_start3A_212 = tpu.memref_slice %arg5[%mul3A_32, %mul3A_37] : memref<8192x128xf32, #tpu.memory_space<hbm>> -> memref<512x32xf32, #tpu.memory_space<hbm>>
    %dma_start3A_213 = tpu.memref_slice %arg5[%mul3A_32, %mul3A_37] : memref<8192x128xf32, #tpu.memory_space<hbm>> -> memref<512x32xf32, #tpu.memory_space<hbm>>
    tpu.enqueue_dma source(%arg8 : memref<512x32xf32, #tpu.memory_space<vmem>>) target(%dma_start3A_213 : memref<512x32xf32, #tpu.memory_space<hbm>>) target_semaphore(%arg11 : memref<!tpu.dma_semaphore, #tpu.memory_space<semaphore_mem>>)
    %add3A_214 = arith.constant 32 : i32
    %add3A_215 = arith.addi %mul3A_37, %add3A_214 : i32
    %dma_start3A_216 = tpu.memref_slice %arg5[%mul3A_32, %add3A_215] : memref<8192x128xf32, #tpu.memory_space<hbm>> -> memref<512x32xf32, #tpu.memory_space<hbm>>
    %dma_start3A_217 = tpu.memref_slice %arg5[%mul3A_32, %add3A_215] : memref<8192x128xf32, #tpu.memory_space<hbm>> -> memref<512x32xf32, #tpu.memory_space<hbm>>
    tpu.enqueue_dma source(%arg9 : memref<512x32xf32, #tpu.memory_space<vmem>>) target(%dma_start3A_217 : memref<512x32xf32, #tpu.memory_space<hbm>>) target_semaphore(%arg11 : memref<!tpu.dma_semaphore, #tpu.memory_space<semaphore_mem>>)
    %dma_wait3A_218 = tpu.memref_slice %arg5[%mul3A_32, %mul3A_37] : memref<8192x128xf32, #tpu.memory_space<hbm>> -> memref<512x32xf32, #tpu.memory_space<hbm>>
    %dma_wait3A_219 = tpu.memref_slice %arg5[%mul3A_32, %mul3A_37] : memref<8192x128xf32, #tpu.memory_space<hbm>> -> memref<512x32xf32, #tpu.memory_space<hbm>>
    tpu.wait_dma2 semaphore(%arg11 : memref<!tpu.dma_semaphore, #tpu.memory_space<semaphore_mem>>) src(%arg8 : memref<512x32xf32, #tpu.memory_space<vmem>>) dst(%dma_wait3A_219 : memref<512x32xf32, #tpu.memory_space<hbm>>)
    %dma_wait3A_220 = tpu.memref_slice %arg5[%mul3A_32, %add3A_215] : memref<8192x128xf32, #tpu.memory_space<hbm>> -> memref<512x32xf32, #tpu.memory_space<hbm>>
    %dma_wait3A_221 = tpu.memref_slice %arg5[%mul3A_32, %add3A_215] : memref<8192x128xf32, #tpu.memory_space<hbm>> -> memref<512x32xf32, #tpu.memory_space<hbm>>
    tpu.wait_dma2 semaphore(%arg11 : memref<!tpu.dma_semaphore, #tpu.memory_space<semaphore_mem>>) src(%arg9 : memref<512x32xf32, #tpu.memory_space<vmem>>) dst(%dma_wait3A_221 : memref<512x32xf32, #tpu.memory_space<hbm>>)
    return
  }
}

module attributes {stable_mosaic.version = 14 : i64} {
  func.func @_mlp_body(%arg0: i32, %arg1: memref<2048x128xf32, #tpu.memory_space<vmem>>, %arg2: memref<64x256xf32, #tpu.memory_space<vmem>>, %arg3: memref<1x256xf32, #tpu.memory_space<vmem>>, %arg4: memref<256x64xf32, #tpu.memory_space<vmem>>, %arg5: memref<1x64xf32, #tpu.memory_space<vmem>>, %arg6: memref<1x64xf32, #tpu.memory_space<vmem>>, %arg7: memref<1x1xf32, #tpu.memory_space<vmem>>, %arg8: memref<2x16x128xf32, #tpu.memory_space<vmem>>) attributes {dimension_semantics = [#tpu.dimension_semantics<arbitrary>], iteration_bounds = array<i64: 4>, scalar_prefetch = 0 : i64, scratch_operands = 0 : i64, tpu.core_type = #tpu.core_type<tc>, window_params = [{transform_indices = @transform_0, window_bounds = array<i64: 2048, 128>}, {pipeline_mode = #tpu.pipeline_mode<synchronous>, transform_indices = @transform_1, window_bounds = array<i64: 64, 256>}, {pipeline_mode = #tpu.pipeline_mode<synchronous>, transform_indices = @transform_2, window_bounds = array<i64: 1, 256>}, {pipeline_mode = #tpu.pipeline_mode<synchronous>, transform_indices = @transform_3, window_bounds = array<i64: 256, 64>}, {pipeline_mode = #tpu.pipeline_mode<synchronous>, transform_indices = @transform_4, window_bounds = array<i64: 1, 64>}, {pipeline_mode = #tpu.pipeline_mode<synchronous>, transform_indices = @transform_5, window_bounds = array<i64: 1, 64>}, {pipeline_mode = #tpu.pipeline_mode<synchronous>, transform_indices = @transform_6, window_bounds = array<i64: 1, 1>}, {transform_indices = @transform_7, window_bounds = array<i64: 2, 16, 128>}]} {
    %get3A = arith.constant 0 : index
    %get3A_0 = arith.constant 0 : index
    %get3A_1 = vector.load %arg1[%get3A, %get3A_0] : memref<2048x128xf32, #tpu.memory_space<vmem>>, vector<2048x64xf32>
    %get3A_2 = arith.constant 0 : index
    %get3A_3 = arith.constant 0 : index
    %get3A_4 = vector.load %arg2[%get3A_2, %get3A_3] : memref<64x256xf32, #tpu.memory_space<vmem>>, vector<64x256xf32>
    %dot_general3A = arith.constant dense<0.000000e+00> : vector<2048x256xf32>
    %dot_general3A_5 = tpu.matmul %get3A_1, %get3A_4, %dot_general3A {dimension_numbers = #tpu.dot_dimension_numbers<[1], [0], [0], [1], [0, 0, 1, 1], [], []>, transpose_lhs_hint = false} : vector<2048x64xf32>, vector<64x256xf32>, vector<2048x256xf32> -> vector<2048x256xf32>
    %get3A_6 = arith.constant 0 : index
    %get3A_7 = arith.constant 0 : index
    %get3A_8 = vector.load %arg3[%get3A_6, %get3A_7] : memref<1x256xf32, #tpu.memory_space<vmem>>, vector<1x256xf32>
    %add3A = vector.broadcast %get3A_8 : vector<1x256xf32> to vector<2048x256xf32>
    %add3A_9 = arith.addf %dot_general3A_5, %add3A : vector<2048x256xf32>
    %max3A = arith.constant 0.000000e+00 : f32
    %max3A_10 = vector.broadcast %max3A : f32 to vector<2048x256xf32>
    %max3A_11 = arith.maximumf %add3A_9, %max3A_10 : vector<2048x256xf32>
    %get3A_12 = arith.constant 0 : index
    %get3A_13 = arith.constant 0 : index
    %get3A_14 = vector.load %arg4[%get3A_12, %get3A_13] : memref<256x64xf32, #tpu.memory_space<vmem>>, vector<256x64xf32>
    %dot_general3A_15 = arith.constant dense<0.000000e+00> : vector<2048x64xf32>
    %dot_general3A_16 = tpu.matmul %max3A_11, %get3A_14, %dot_general3A_15 {dimension_numbers = #tpu.dot_dimension_numbers<[1], [0], [0], [1], [0, 0, 1, 1], [], []>, transpose_lhs_hint = false} : vector<2048x256xf32>, vector<256x64xf32>, vector<2048x64xf32> -> vector<2048x64xf32>
    %get3A_17 = arith.constant 0 : index
    %get3A_18 = arith.constant 0 : index
    %get3A_19 = vector.load %arg5[%get3A_17, %get3A_18] : memref<1x64xf32, #tpu.memory_space<vmem>>, vector<1x64xf32>
    %add3A_20 = vector.broadcast %get3A_19 : vector<1x64xf32> to vector<2048x64xf32>
    %add3A_21 = arith.addf %dot_general3A_16, %add3A_20 : vector<2048x64xf32>
    %max3A_22 = arith.constant 0.000000e+00 : f32
    %max3A_23 = vector.broadcast %max3A_22 : f32 to vector<2048x64xf32>
    %max3A_24 = arith.maximumf %add3A_21, %max3A_23 : vector<2048x64xf32>
    %get3A_25 = arith.constant 0 : index
    %get3A_26 = arith.constant 0 : index
    %get3A_27 = vector.load %arg6[%get3A_25, %get3A_26] : memref<1x64xf32, #tpu.memory_space<vmem>>, vector<1x64xf32>
    %mul3A = vector.broadcast %get3A_27 : vector<1x64xf32> to vector<2048x64xf32>
    %mul3A_28 = arith.mulf %max3A_24, %mul3A : vector<2048x64xf32>
    %reduce_sum3A = arith.constant dense<0.000000e+00> : vector<2048xf32>
    %reduce_sum3A_29 = vector.multi_reduction <add>, %mul3A_28, %reduce_sum3A [1] : vector<2048x64xf32> to vector<2048xf32>
    %get3A_30 = arith.constant 0 : index
    %get3A_31 = arith.constant 0 : index
    %get3A_32 = vector.load %arg7[%get3A_30, %get3A_31] : memref<1x1xf32, #tpu.memory_space<vmem>>, vector<1x1xf32>
    %get3A_33 = vector.extract %get3A_32[0, 0] : f32 from vector<1x1xf32>
    %add3A_34 = vector.broadcast %get3A_33 : f32 to vector<2048xf32>
    %add3A_35 = arith.addf %reduce_sum3A_29, %add3A_34 : vector<2048xf32>
    %reshape3A = vector.shape_cast %add3A_35 : vector<2048xf32> to vector<16x128xf32>
    %swap3A = arith.constant 0 : index
    %swap3A_36 = arith.constant 0 : index
    %swap3A_37 = arith.constant 0 : index
    %swap3A_38 = vector.load %arg8[%swap3A, %swap3A_36, %swap3A_37] : memref<2x16x128xf32, #tpu.memory_space<vmem>>, vector<1x16x128xf32>
    %swap3A_39 = vector.shape_cast %swap3A_38 : vector<1x16x128xf32> to vector<16x128xf32>
    %swap3A_40 = vector.shape_cast %reshape3A : vector<16x128xf32> to vector<1x16x128xf32>
    tpu.vector_store %arg8[%swap3A, %swap3A_36, %swap3A_37], %swap3A_40 {strides = array<i32>} : memref<2x16x128xf32, #tpu.memory_space<vmem>>, vector<1x16x128xf32>,
    %get3A_41 = arith.constant 0 : index
    %get3A_42 = arith.constant 64 : index
    %get3A_43 = vector.load %arg1[%get3A_41, %get3A_42] : memref<2048x128xf32, #tpu.memory_space<vmem>>, vector<2048x64xf32>
    %get3A_44 = arith.constant 0 : index
    %get3A_45 = arith.constant 0 : index
    %get3A_46 = vector.load %arg2[%get3A_44, %get3A_45] : memref<64x256xf32, #tpu.memory_space<vmem>>, vector<64x256xf32>
    %dot_general3A_47 = arith.constant dense<0.000000e+00> : vector<2048x256xf32>
    %dot_general3A_48 = tpu.matmul %get3A_43, %get3A_46, %dot_general3A_47 {dimension_numbers = #tpu.dot_dimension_numbers<[1], [0], [0], [1], [0, 0, 1, 1], [], []>, transpose_lhs_hint = false} : vector<2048x64xf32>, vector<64x256xf32>, vector<2048x256xf32> -> vector<2048x256xf32>
    %get3A_49 = arith.constant 0 : index
    %get3A_50 = arith.constant 0 : index
    %get3A_51 = vector.load %arg3[%get3A_49, %get3A_50] : memref<1x256xf32, #tpu.memory_space<vmem>>, vector<1x256xf32>
    %add3A_52 = vector.broadcast %get3A_51 : vector<1x256xf32> to vector<2048x256xf32>
    %add3A_53 = arith.addf %dot_general3A_48, %add3A_52 : vector<2048x256xf32>
    %max3A_54 = arith.constant 0.000000e+00 : f32
    %max3A_55 = vector.broadcast %max3A_54 : f32 to vector<2048x256xf32>
    %max3A_56 = arith.maximumf %add3A_53, %max3A_55 : vector<2048x256xf32>
    %get3A_57 = arith.constant 0 : index
    %get3A_58 = arith.constant 0 : index
    %get3A_59 = vector.load %arg4[%get3A_57, %get3A_58] : memref<256x64xf32, #tpu.memory_space<vmem>>, vector<256x64xf32>
    %dot_general3A_60 = arith.constant dense<0.000000e+00> : vector<2048x64xf32>
    %dot_general3A_61 = tpu.matmul %max3A_56, %get3A_59, %dot_general3A_60 {dimension_numbers = #tpu.dot_dimension_numbers<[1], [0], [0], [1], [0, 0, 1, 1], [], []>, transpose_lhs_hint = false} : vector<2048x256xf32>, vector<256x64xf32>, vector<2048x64xf32> -> vector<2048x64xf32>
    %get3A_62 = arith.constant 0 : index
    %get3A_63 = arith.constant 0 : index
    %get3A_64 = vector.load %arg5[%get3A_62, %get3A_63] : memref<1x64xf32, #tpu.memory_space<vmem>>, vector<1x64xf32>
    %add3A_65 = vector.broadcast %get3A_64 : vector<1x64xf32> to vector<2048x64xf32>
    %add3A_66 = arith.addf %dot_general3A_61, %add3A_65 : vector<2048x64xf32>
    %max3A_67 = arith.constant 0.000000e+00 : f32
    %max3A_68 = vector.broadcast %max3A_67 : f32 to vector<2048x64xf32>
    %max3A_69 = arith.maximumf %add3A_66, %max3A_68 : vector<2048x64xf32>
    %get3A_70 = arith.constant 0 : index
    %get3A_71 = arith.constant 0 : index
    %get3A_72 = vector.load %arg6[%get3A_70, %get3A_71] : memref<1x64xf32, #tpu.memory_space<vmem>>, vector<1x64xf32>
    %mul3A_73 = vector.broadcast %get3A_72 : vector<1x64xf32> to vector<2048x64xf32>
    %mul3A_74 = arith.mulf %max3A_69, %mul3A_73 : vector<2048x64xf32>
    %reduce_sum3A_75 = arith.constant dense<0.000000e+00> : vector<2048xf32>
    %reduce_sum3A_76 = vector.multi_reduction <add>, %mul3A_74, %reduce_sum3A_75 [1] : vector<2048x64xf32> to vector<2048xf32>
    %get3A_77 = arith.constant 0 : index
    %get3A_78 = arith.constant 0 : index
    %get3A_79 = vector.load %arg7[%get3A_77, %get3A_78] : memref<1x1xf32, #tpu.memory_space<vmem>>, vector<1x1xf32>
    %get3A_80 = vector.extract %get3A_79[0, 0] : f32 from vector<1x1xf32>
    %add3A_81 = vector.broadcast %get3A_80 : f32 to vector<2048xf32>
    %add3A_82 = arith.addf %reduce_sum3A_76, %add3A_81 : vector<2048xf32>
    %reshape3A_83 = vector.shape_cast %add3A_82 : vector<2048xf32> to vector<16x128xf32>
    %swap3A_84 = arith.constant 1 : index
    %swap3A_85 = arith.constant 0 : index
    %swap3A_86 = arith.constant 0 : index
    %swap3A_87 = vector.load %arg8[%swap3A_84, %swap3A_85, %swap3A_86] : memref<2x16x128xf32, #tpu.memory_space<vmem>>, vector<1x16x128xf32>
    %swap3A_88 = vector.shape_cast %swap3A_87 : vector<1x16x128xf32> to vector<16x128xf32>
    %swap3A_89 = vector.shape_cast %reshape3A_83 : vector<16x128xf32> to vector<1x16x128xf32>
    tpu.vector_store %arg8[%swap3A_84, %swap3A_85, %swap3A_86], %swap3A_89 {strides = array<i32>} : memref<2x16x128xf32, #tpu.memory_space<vmem>>, vector<1x16x128xf32>,
    return
  }
  func.func @transform_0(%arg0: i32) -> (i32, i32) {
    %c0_i32 = arith.constant 0 : i32
    %c0_i32_0 = arith.constant 0 : i32
    return %arg0, %c0_i32 : i32, i32
  }
  func.func @transform_1(%arg0: i32) -> (i32, i32) {
    %c0_i32 = arith.constant 0 : i32
    %c0_i32_0 = arith.constant 0 : i32
    %c0_i32_1 = arith.constant 0 : i32
    return %c0_i32, %c0_i32_0 : i32, i32
  }
  func.func @transform_2(%arg0: i32) -> (i32, i32) {
    %c0_i32 = arith.constant 0 : i32
    %c0_i32_0 = arith.constant 0 : i32
    %c0_i32_1 = arith.constant 0 : i32
    return %c0_i32, %c0_i32_0 : i32, i32
  }
  func.func @transform_3(%arg0: i32) -> (i32, i32) {
    %c0_i32 = arith.constant 0 : i32
    %c0_i32_0 = arith.constant 0 : i32
    %c0_i32_1 = arith.constant 0 : i32
    return %c0_i32, %c0_i32_0 : i32, i32
  }
  func.func @transform_4(%arg0: i32) -> (i32, i32) {
    %c0_i32 = arith.constant 0 : i32
    %c0_i32_0 = arith.constant 0 : i32
    %c0_i32_1 = arith.constant 0 : i32
    return %c0_i32, %c0_i32_0 : i32, i32
  }
  func.func @transform_5(%arg0: i32) -> (i32, i32) {
    %c0_i32 = arith.constant 0 : i32
    %c0_i32_0 = arith.constant 0 : i32
    %c0_i32_1 = arith.constant 0 : i32
    return %c0_i32, %c0_i32_0 : i32, i32
  }
  func.func @transform_6(%arg0: i32) -> (i32, i32) {
    %c0_i32 = arith.constant 0 : i32
    %c0_i32_0 = arith.constant 0 : i32
    %c0_i32_1 = arith.constant 0 : i32
    return %c0_i32, %c0_i32_0 : i32, i32
  }
  func.func @transform_7(%arg0: i32) -> (i32, i32, i32) {
    %c0_i32 = arith.constant 0 : i32
    %c0_i32_0 = arith.constant 0 : i32
    %c0_i32_1 = arith.constant 0 : i32
    return %c0_i32, %arg0, %c0_i32_0 : i32, i32, i32
  }
}

</mosaic_0001>

<sc_bundles>
// kernel: kernel.4.cloned.1.call-start
scs
__scs_entry_jumppad:
0x0: {  	(pc) =	sbr.rel $0x88, $3  }
0x1: {  	(tag) =	ssettag $0x0;
	lr =	simm.s32 $0x1  }
0x2: {  	[smem:$0x3F97] =	sst lr;
	_ =	strace $0xD0000000  }
0x3: {  	_ = 	snop  }
0x4: {  	_ = 	snop  }
0x5: {  	_ = 	snop  }
0x6: {  	_ = 	snop  }
0x7: {  	_ = 	snop  }
__scs_overlays_trampoline_lowered:
0x8: {  	[smem:$0x3FA6] =	sst s0  }
0x9: {  	[smem:$0x3FA7] =	sst s1  }
0xa: {  	[smem:$0x3FA8] =	sst s2  }
0xb: {  	[smem:$0x3FA9] =	sst s3  }
0xc: {  	[smem:$0x3FAA] =	sst s4  }
0xd: {  	[smem:$0x3FAB] =	sst s5  }
0xe: {  	[smem:$0x3FAC] =	sst s6  }
0xf: {  	[smem:$0x3FAD] =	sst s7  }
0x10: {  	[smem:$0x3FAE] =	sst s8  }
0x11: {  	[smem:$0x3FAF] =	sst s9;
	s0 =	simm.s32 @!p0 $0x0  }
0x12: {  	s1 =	sld [smem:$0x3F95];
	s0 =	simm.s32 @p0 $0x1  }
0x13: {  	[smem:$0x3FB0] =	sst s0;
	s0 =	simm.s32 @!p1 $0x0  }
0x14: {  	s2 =	sld [smem:$0x3F94];
	s0 =	simm.s32 @p1 $0x1  }
0x15: {  	[smem:$0x3FB1] =	sst s0;
	s0 =	simm.s32 @!p2 $0x0  }
0x16: {  	s3 =	sld [smem:$0x3FDB];
	s0 =	simm.s32 @p2 $0x1  }
0x17: {  	s4 =	simm.s32 $0x1BF5;
	[smem:$0x3FB3] =	sst s0  }
0x18: {  	s0 =	sld [smem:$0x3F96];
	_ =	swait.ge [sflag:s4], $0x0  }
0x19: {  	s7 =	sld [smem:$0x3F97]  }
0x1a: {  	s8 =	sadd.s32 $0xFFFFE003, lr  }
0x1b: {  	s9 =	sadd.s32 $0xFFFFFEF7, lr;
	s5 =	simm.s32 $0xFFFFFFFF;
	p2 =	slt.u32 s8, $0xFFFFF086  }
0x1c: {  	p1 =	slt.u32 s9, $0xF7A;
	s5 =	simm.s32 @!p2 $0x0  }
0x1d: {  	s5 =	simm.s32 @p1 $0x1;
	p0 =	seq.s32 s7, s2  }
0x1e: {  	s7 =	smul.u32 @!p0 $0xF7A, s2;
	p2 =	seq.s32 @!p0 s5, $0x0  }
0x1f: {  	s9 =	smul.u32 $0xF7A, s1;
	s8 =	simm.s32 @!p0 $0x1BF5;
	p2 =	por !p2, p0  }
0x20: {  	[sflag:s8] =	ssyncset.s32 @!p0 $0xFFFFF086;
	s6 =	sadd.s32 @!p0 s3, s7;
	s7 =	simm.s32 @!p0 $0x108  }
0x21: {  	s3 =	sadd.s32 s3, s9;
	s6 =	sadd.s32 @!p0 $0x88, s6;
	s7 =	simm.s32 @p2 $0x1082  }
0x22: {  	[simem:s7], [sflag:s8] =	dma.local @!p0 [hbm:s6], $0xF7A  }
0x23: {  	s9 =	sor.u32 $0xD0000000, s2;
	s6 =	simm.s32 $0x108;
	_ =	swait.ge @!p0 [sflag:s8], $0x0  }
0x24: {  	s3 =	sadd.s32 $0x88, s3;
	s6 =	simm.s32 @!p1 $0x1082;
	[sflag:s4] =	ssyncset.s32 $0xFFFFF086  }
0x25: {  	[simem:s6], [sflag:s4] =	dma.local [hbm:s3], $0xF7A  }
0x26: {  	[smem:$0x3F97] =	sst s1;
	(tag) =	ssettag s2;
	_ =	strace s9  }
0x27: {  	s1 =	sld [smem:$0x3FA7]  }
0x28: {  	s2 =	sld [smem:$0x3FA8]  }
0x29: {  	s4 =	sld [smem:$0x3FAA]  }
0x2a: {  	p0 =	seq.s32 s5, $0x0;
	s5 =	sld [smem:$0x3FAB]  }
0x2b: {  	s6 =	sld [smem:$0x3FAC]  }
0x2c: {  	s7 =	sld [smem:$0x3FAD]  }
0x2d: {  	s3 =	simm.s32 $0x108;
	s8 =	sld [smem:$0x3FAE]  }
0x2e: {  	s3 =	simm.s32 @!p0 $0x1082;
	s9 =	sld [smem:$0x3FAF]  }
0x2f: {  	lr =	sadd.s32 s0, s3;
	s0 =	sld [smem:$0x3FA6]  }
0x30: {  	s3 =	sld [smem:$0x3FA9]  }
0x31: {  	[smem:$0x3FB2] =	sst s10  }
0x32: {  	s10 =	sld [smem:$0x3FB0];
	_ =	sdelay $0x3  }
0x33: {  	p0 =	seq.s32 s10, $0x1;
	s10 =	sld [smem:$0x3FB2];
	_ =	sdelay $0x3  }
0x34: {  	[smem:$0x3FB2] =	sst s10  }
0x35: {  	s10 =	sld [smem:$0x3FB1];
	_ =	sdelay $0x3  }
0x36: {  	p1 =	seq.s32 s10, $0x1;
	s10 =	sld [smem:$0x3FB2];
	_ =	sdelay $0x3  }
0x37: {  	[smem:$0x3FB2] =	sst s10  }
0x38: {  	s10 =	sld [smem:$0x3FB3]  }
0x39: {  	_ = 	snop;
	(pc) =	sbr.ind lr, $3  }
0x3a: {  	_ = 	snop  }
0x3b: {  	_ = 	snop  }
0x3c: {  	p2 =	seq.s32 s10, $0x1;
	s10 =	sld [smem:$0x3FB2]  }
0x3d: {  	_ =	shalt  }
0x3e: {  	_ =	shalt  }
0x3f: {  	_ =	shalt  }
0x40: {  	_ =	shalt  }
0x41: {  	_ =	shalt  }
0x42: {  	_ =	shalt  }
0x43: {  	_ =	shalt  }
0x44: {  	_ =	shalt  }
0x45: {  	_ =	shalt  }
0x46: {  	_ =	shalt  }
0x47: {  	_ =	shalt  }
0x48: {  	_ =	shalt  }
0x49: {  	_ =	shalt  }
0x4a: {  	_ =	shalt  }
0x4b: {  	_ =	shalt  }
0x4c: {  	_ =	shalt  }
0x4d: {  	_ =	shalt  }
0x4e: {  	_ =	shalt  }
0x4f: {  	_ =	shalt  }
0x50: {  	_ =	shalt  }
0x51: {  	_ =	shalt  }
0x52: {  	_ =	shalt  }
0x53: {  	_ =	shalt  }
0x54: {  	_ =	shalt  }
0x55: {  	_ =	shalt  }
0x56: {  	_ =	shalt  }
0x57: {  	_ =	shalt  }
0x58: {  	_ =	shalt  }
0x59: {  	_ =	shalt  }
0x5a: {  	_ =	shalt  }
0x5b: {  	_ =	shalt  }
0x5c: {  	_ =	shalt  }
0x5d: {  	_ =	shalt  }
0x5e: {  	_ =	shalt  }
0x5f: {  	_ =	shalt  }
0x60: {  	_ =	shalt  }
0x61: {  	_ =	shalt  }
0x62: {  	_ =	shalt  }
0x63: {  	_ =	shalt  }
0x64: {  	_ =	shalt  }
0x65: {  	_ =	shalt  }
0x66: {  	_ =	shalt  }
0x67: {  	_ =	shalt  }
0x68: {  	_ =	shalt  }
0x69: {  	_ =	shalt  }
0x6a: {  	_ =	shalt  }
0x6b: {  	_ =	shalt  }
0x6c: {  	_ =	shalt  }
0x6d: {  	_ =	shalt  }
0x6e: {  	_ =	shalt  }
0x6f: {  	_ =	shalt  }
0x70: {  	_ =	shalt  }
0x71: {  	_ =	shalt  }
0x72: {  	_ =	shalt  }
0x73: {  	_ =	shalt  }
0x74: {  	_ =	shalt  }
0x75: {  	_ =	shalt  }
0x76: {  	_ =	shalt  }
0x77: {  	_ =	shalt  }
0x78: {  	_ =	shalt  }
0x79: {  	_ =	shalt  }
0x7a: {  	_ =	shalt  }
0x7b: {  	_ =	shalt  }
0x7c: {  	_ =	shalt  }
0x7d: {  	_ =	shalt  }
0x7e: {  	_ =	shalt  }
0x7f: {  	_ =	shalt  }
0x80: {  	_ =	shalt  }
0x81: {  	_ =	shalt  }
0x82: {  	_ =	shalt  }
0x83: {  	_ =	shalt  }
0x84: {  	_ =	shalt  }
0x85: {  	_ =	shalt  }
0x86: {  	_ =	shalt  }
0x87: {  	_ =	shalt  }
.Lfunc_end0:
.L_simem_size_0:
called_computation_lowered:
.L_overlay_start_0:
0x88: {  	s2 =	sld [smem:$0x3FD9]  }
0x89: {  	s3 =	sld [smem:$0x3FFE];
	_ =	sdelay $0x1  }
0x8a: {  	s1 =	srdreg.scid  }
0x8b: {  	s0 =	sand.u32 $0x1, s1  }
0x8c: {  	s17 =	sshll.u32 s0, $0xA;
	s2 =	sadd.s32 s3, s2  }
0x8d: {  	s2 =	sadd.s32 s2, s17  }
0x8e: {  	[smem:$0x3FBE] =	sst s2  }
0x8f: {  	_ = 	snop  }
0x90: {  	s2 =	sld [smem:$0x3FC9]  }
0x91: {  	s18 =	sld [smem:$0x3FC8];
	(tm) =	ssettm $0x1  }
0x92: {  	s4 =	sld [smem:$0x3FFB];
	_ =	sdelay $0x3  }
0x93: {  	_ =	strace s4  }
0x94: {  	s4 =	sld [smem:$0x3FFC];
	_ =	sdelay $0x3  }
0x95: {  	_ =	strace s4  }
0x96: {  	s4 =	sld [smem:$0x3FFD];
	_ =	sdelay $0x3  }
0x97: {  	_ =	strace s4  }
0x98: {  	_ =	strace $0x8FFFFFFF  }
0x99: {  	s19 =	sld [smem:$0x3FDB];
	_ =	sdelay $0x1  }
0x9a: {  	s5 =	simm.s32 $_scs_section_size  }
0x9b: {  	s6 =	simm.s32 $_size__tile_overlayer_lowered;
	s7 =	simm.s32 $_tile_overlayer_lowered  }
0x9c: {  	s22 =	simm.s32 $0x1BFF;
	s21 =	sshll.u32 s7, $0x1;
	s4 =	sadd.s32 s5, s19  }
0x9d: {  	s8 =	simm.s32 $0x0;
	s20 =	sshll.u32 s6, $0x1;
	s6 =	sadd.s32 s21, s4  }
0x9e: {  	[timem:s8], [sflag:s22] =	dma.local [hbm:s6], s20  }
0x9f: {  	_ =	swait.ge [sflag:s22], s20  }
0xa0: {  	s5 =	ssub.s32 $0x0, s20;
	[sflag:s22] =	ssyncset.done $0x0  }
0xa1: {  	[sflag:s22] =	ssyncadd.s32 s5;
	_ =	sdelay $0x1  }
0xa2: {  	s23 =	simm.s32 $0x1B8B  }
0xa3: {  	_ =	swait.ge [sflag:s23], $0x1  }
0xa4: {  	[sflag:s23] =	ssyncset.done $0x0  }
0xa5: {  	s25 =	simm.s32 $0x1B8E;
	s24 =	sld [smem:$0x3FFE];
	[sflag:s23] =	ssyncadd.s32 $0xFFFFFFFF  }
0xa6: {  	s26 =	simm.s32 $execute0_lowered;
	[smem:$0x3FD2] =	sst s25  }
0xa7: {  	s6 =	sshll.u32 s26, $0x1;
	_ =	strace $0x80000046;
	[dreg:$0x1] =	wrdreg $0xFFFFFFFF  }
0xa8: {  	s28 =	simm.s32 $_size_execute0_lowered;
	s4 =	sadd.s32 s4, s6;
	[dreg:$0x0] =	wrdreg $0x0  }
0xa9: {  	s6 =	sshll.u32 s28, $0x1;
	[dreg:$0x2] =	wrdreg s4  }
0xaa: {  	[dreg:$0x3] =	wrdreg s6  }
0xab: {  	[dreg:$0x4] =	wrdreg $0xC0  }
0xac: {  	_ =	task [dreg:s8], $0x5FFFF  }
0xad: {  	[dreg:$0x1] =	wrdreg $0xFFFFFFFF  }
0xae: {  	[dreg:$0x0] =	wrdreg $0x60  }
0xaf: {  	[dreg:$0x2] =	wrdreg s2  }
0xb0: {  	[dreg:$0x3] =	wrdreg s18  }
0xb1: {  	[dreg:$0x4] =	wrdreg s24  }
0xb2: {  	[dreg:$0x5] =	wrdreg $0x9  }
0xb3: {  	_ =	task.clear_ibuf [dreg:s8], $0x6FFFF;
	_ =	strace $0x90000046  }
0xb4: {  	s29 =	simm.s32 $0x9;
	_ =	strace $0x80000048  }
0xb5: {  	_ =	swait.ge [sflag:s29], $0x1  }
0xb6: {  	[sflag:s29] =	ssyncadd.s32 $0xFFFFFFFF  }
0xb7: {  	_ =	strace $0x90000048  }
0xb8: {  	_ =	sfence  }
0xb9: {  	s30 =	sld [smem:$0x0];
	_ =	sdelay $0x2  }
0xba: {  	s31 =	sshll.u32 s1, $0xD;
	s1 =	sshrl.u32 s1, $0x2  }
0xbb: {  	s3 =	sand.u32 $0x4000, s31;
	s1 =	sadd.s32 s1, s30  }
0xbc: {  	s0 =	sor.u32 s3, s0;
	s1 =	sshll.u32 s1, $0x11  }
0xbd: {  	s0 =	sor.u32 s1, s0  }
0xbe: {  	s0 =	sadd.s32 $0x8F2B, s0  }
0xbf: {  	[sflag:s0] =	ssyncadd.remote.s32 $0x1  }
0xc0: {  	_ =	sfence.sel $0xFFFF  }
0xc1: {  	[dreg:$0x0] =	wrdreg $0xFFFFFFFF;
	(pc) =	sbr.abs _section_cstart, $3  }
0xc2: {  	[dreg:$0x1] =	wrdreg $0xFFFFFFFF  }
0xc3: {  	_ =	task.clear_ibuf [dreg:s8], $0x2FFFF;
	_ =	strace $0x9FFFFFFF  }
0xc4: {  	(tm) =	ssettm $0x7FFFFFFF  }
0xc5: {  	_ =	shalt  }
tec
execute0_lowered:
.L_overlay_start_1:
0x0: {  	(tag) =	ssettag $0x1  }
0x1: {  	s3 =	rddreg [dreg:$0x0];
	s0 =	stileid.u32  }
0x2: {  	s5 =	rddreg [dreg:$0x1];
	s1 =	srdreg.scid;
	s2 =	sshll.u32 s0, $0x1  }
0x3: {  	s24 =	rddreg [dreg:$0x2];
	s28 =	sand.u32 $0x1, s1;
	s2 =	sand.u32 $0xE, s2  }
0x4: {  	s1 =	rddreg [dreg:$0x3];
	s4 =	sshll.u32 s0, $0x7;
	s25 =	sor.u32 s28, s2  }
0x5: {  	s4 =	sand.u32 $0x400, s4;
	s2 =	simm.s32 $0x0;
	s6 =	sshll.u32 s25, $0x6  }
0x6: {  	[smem:$0x7FF] =	sst s2;
	s6 =	sor.u32 s4, s6  }
0x7: {  	_ =	strace $0x80000047;
	s4 =	simm.s32 $0x3;
	s3 =	sadd.s32 s3, s6  }
0x8: {  	[tilespmem:s2], [sflag:$0x3] =	stream.linear.gather [hbm4b:s3+s2], $0x200, $0x38;
	[tilespmem:$0x8400] =	vst v63  }
0x9: {  	_ =	swait.ge [sflag:s4], $0x200  }
0xa: {  	[sflag:s4] =	ssyncset.done $0x0  }
0xb: {  	s5 =	sadd.s32 s5, s6;
	s6 =	simm.s32 $0x200;
	[sflag:s4] =	ssyncadd.s32 $0xFFFFFE00  }
0xc: {  	[tilespmem:s6], [sflag:$0x3] =	stream.linear.gather [hbm4b:s5+s2], $0x200, $0x38;
	[tilespmem:$0x8400] =	vst v63  }
0xd: {  	_ =	swait.ge [sflag:s4], $0x200  }
0xe: {  	s8 =	simm.s32 $0x80;
	[sflag:s4] =	ssyncset.done $0x0  }
0xf: {  	s9 =	simm.s32 $0x400;
	s7 =	sadd.s32 $0x1004, s24;
	[sflag:s4] =	ssyncadd.s32 $0xFFFFFE00  }
0x10: {  	[tilespmem:s9], [sflag:$0x1] =	stream.indirect.gather [hbm4b:s7+s8], $0x20, s2, s8, $0xb8;
	[tilespmem:$0x8400] =	vst v63  }
0x11: {  	s11 =	simm.s32 $0x4400;
	s10 =	sadd.s32 $0x1EC4, s24  }
0x12: {  	[tilespmem:s11], [sflag:$0x1] =	stream.indirect.gather [hbm4b:s10+s8], $0x20, s6, s8, $0xb8;
	[tilespmem:$0x8400] =	vst v63  }
0x13: {  	s12 =	simm.s32 $0x1400  }
0x14: {  	[tilespmem:s12], [sflag:$0x1] =	stream.indirect.gather [hbm4b:s7+s8], $0x20, s8, s8, $0xb8;
	[tilespmem:$0x8400] =	vst v63  }
0x15: {  	s13 =	simm.s32 $0x280;
	s14 =	simm.s32 $0x5400  }
0x16: {  	[tilespmem:s14], [sflag:$0x1] =	stream.indirect.gather [hbm4b:s10+s8], $0x20, s13, s8, $0xb8;
	[tilespmem:$0x8400] =	vst v63  }
0x17: {  	s15 =	simm.s32 $0x100;
	s16 =	simm.s32 $0x2400  }
0x18: {  	[tilespmem:s16], [sflag:$0x1] =	stream.indirect.gather [hbm4b:s7+s8], $0x20, s15, s8, $0xb8;
	[tilespmem:$0x8400] =	vst v63  }
0x19: {  	s17 =	simm.s32 $0x300;
	s18 =	simm.s32 $0x6400  }
0x1a: {  	[tilespmem:s18], [sflag:$0x1] =	stream.indirect.gather [hbm4b:s10+s8], $0x20, s17, s8, $0xb8;
	[tilespmem:$0x8400] =	vst v63  }
0x1b: {  	s19 =	simm.s32 $0x180;
	s20 =	simm.s32 $0x3400  }
0x1c: {  	[tilespmem:s20], [sflag:$0x1] =	stream.indirect.gather [hbm4b:s7+s8], $0x20, s19, s8, $0xb8;
	[tilespmem:$0x8400] =	vst v63  }
0x1d: {  	s21 =	simm.s32 $0x380;
	s22 =	simm.s32 $0x7400;
	s23 =	simm.s32 $0x1  }
0x1e: {  	[tilespmem:s22], [sflag:$0x1] =	stream.indirect.gather [hbm4b:s10+s8], $0x20, s21, s8, $0xb8;
	[tilespmem:$0x8400] =	vst v63  }
0x1f: {  	_ =	swait.ge [sflag:s23], $0x1000  }
0x20: {  	[sflag:s23] =	ssyncset.done $0x0  }
0x21: {  	[sflag:s23] =	ssyncadd.s32 $0xFFFFF000  }
0x22: {  	_ =	swait.ge [sflag:s23], $0x1000  }
0x23: {  	[sflag:s23] =	ssyncset.done $0x0  }
0x24: {  	[sflag:s23] =	ssyncadd.s32 $0xFFFFF000  }
0x25: {  	_ =	swait.ge [sflag:s23], $0x1000  }
0x26: {  	[sflag:s23] =	ssyncset.done $0x0  }
0x27: {  	[sflag:s23] =	ssyncadd.s32 $0xFFFFF000  }
0x28: {  	_ =	swait.ge [sflag:s23], $0x1000  }
0x29: {  	[sflag:s23] =	ssyncset.done $0x0  }
0x2a: {  	[sflag:s23] =	ssyncadd.s32 $0xFFFFF000  }
0x2b: {  	_ =	swait.ge [sflag:s23], $0x1000  }
0x2c: {  	[sflag:s23] =	ssyncset.done $0x0  }
0x2d: {  	[sflag:s23] =	ssyncadd.s32 $0xFFFFF000  }
0x2e: {  	_ =	swait.ge [sflag:s23], $0x1000  }
0x2f: {  	[sflag:s23] =	ssyncset.done $0x0  }
0x30: {  	[sflag:s23] =	ssyncadd.s32 $0xFFFFF000  }
0x31: {  	_ =	swait.ge [sflag:s23], $0x1000  }
0x32: {  	s26 =	sand.u32 $0x8, s0;
	s29 =	ssub.s32 $0x2, s28;
	[sflag:s23] =	ssyncset.done $0x0  }
0x33: {  	s30 =	sshrl.u32 s29, $0x1;
	s25 =	sshll.u32 s25, $0xD;
	[sflag:s23] =	ssyncadd.s32 $0xFFFFF000  }
0x34: {  	s29 =	ssub.s32 s29, s30;
	s25 =	sor.u32 s26, s25;
	_ =	swait.ge [sflag:s23], $0x1000  }
0x35: {  	s29 =	smax.u32 s29, $0x1;
	s26 =	sadd.s32 s25, s24;
	[sflag:s23] =	ssyncset.done $0x0  }
0x36: {  	s25 =	simm.s32 $0x20;
	s24 =	sadd.s32 $0x3A00, s26;
	[sflag:s23] =	ssyncadd.s32 $0xFFFFF000  }
0x37: {  	[hbm4b:s24+s25] =	stream.strided.scatter [tilespmem:s9], [sflag:$0x2], $0x4000, s8, s25, $0x38;
	[tilespmem:$0x8400] =	vst v63  }
0x38: {  	s28 =	simm.s32 $0x2;
	p0 =	sne.s32 s29, $0x1;
	s26 =	sadd.s32 $0x3A04, s26  }
0x39: {  	[hbm4b:s26+s25] =	stream.strided.scatter [tilespmem:s11], [sflag:$0x2], $0x4000, s8, s25, $0x38;
	[tilespmem:$0x8400] =	vst v63  }
.Ltmp0:
0x3a: {  	_ =	swait.ge [sflag:s28], $0x4000;
	(pc) =	sbr.rel @!p0 .LBB2_2-.Ltmp0, $4  }
0x3b: {  	[sflag:s28] =	ssyncset.done $0x0  }
0x3c: {  	[sflag:s28] =	ssyncadd.s32 $0xFFFFC000  }
0x3d: {  	_ =	swait.ge [sflag:s28], $0x4000  }
0x3e: {  	s29 =	sadd.s32 $0xFFFFFFFF, s29;
	[sflag:s28] =	ssyncset.done $0x0  }
.LBB2_1:
0x3f: {  	p0 =	sne.s32 s29, $0x1;
	s29 =	sadd.s32 $0xFFFFFFFF, s29;
	[sflag:s28] =	ssyncadd.s32 $0xFFFFC000  }
0x40: {  	[tilespmem:s2], [sflag:$0x3] =	stream.linear.gather [hbm4b:s3+s2], $0x200, $0x38;
	[tilespmem:$0x8400] =	vst v63  }
0x41: {  	_ =	swait.ge [sflag:s4], $0x200  }
0x42: {  	[sflag:s4] =	ssyncset.done $0x0  }
0x43: {  	[sflag:s4] =	ssyncadd.s32 $0xFFFFFE00  }
0x44: {  	[tilespmem:s6], [sflag:$0x3] =	stream.linear.gather [hbm4b:s5+s2], $0x200, $0x38;
	[tilespmem:$0x8400] =	vst v63  }
0x45: {  	_ =	swait.ge [sflag:s4], $0x200  }
0x46: {  	[sflag:s4] =	ssyncset.done $0x0  }
0x47: {  	[sflag:s4] =	ssyncadd.s32 $0xFFFFFE00  }
0x48: {  	[tilespmem:s9], [sflag:$0x1] =	stream.indirect.gather [hbm4b:s7+s8], $0x20, s2, s8, $0xb8;
	[tilespmem:$0x8400] =	vst v63  }
0x49: {  	_ = 	snop  }
0x4a: {  	[tilespmem:s11], [sflag:$0x1] =	stream.indirect.gather [hbm4b:s10+s8], $0x20, s6, s8, $0xb8;
	[tilespmem:$0x8400] =	vst v63  }
0x4b: {  	_ = 	snop  }
0x4c: {  	[tilespmem:s12], [sflag:$0x1] =	stream.indirect.gather [hbm4b:s7+s8], $0x20, s8, s8, $0xb8;
	[tilespmem:$0x8400] =	vst v63  }
0x4d: {  	_ = 	snop  }
0x4e: {  	[tilespmem:s14], [sflag:$0x1] =	stream.indirect.gather [hbm4b:s10+s8], $0x20, s13, s8, $0xb8;
	[tilespmem:$0x8400] =	vst v63  }
0x4f: {  	_ = 	snop  }
0x50: {  	[tilespmem:s16], [sflag:$0x1] =	stream.indirect.gather [hbm4b:s7+s8], $0x20, s15, s8, $0xb8;
	[tilespmem:$0x8400] =	vst v63  }
0x51: {  	_ = 	snop  }
0x52: {  	[tilespmem:s18], [sflag:$0x1] =	stream.indirect.gather [hbm4b:s10+s8], $0x20, s17, s8, $0xb8;
	[tilespmem:$0x8400] =	vst v63  }
0x53: {  	_ = 	snop  }
0x54: {  	[tilespmem:s20], [sflag:$0x1] =	stream.indirect.gather [hbm4b:s7+s8], $0x20, s19, s8, $0xb8;
	[tilespmem:$0x8400] =	vst v63  }
0x55: {  	_ = 	snop  }
0x56: {  	[tilespmem:s22], [sflag:$0x1] =	stream.indirect.gather [hbm4b:s10+s8], $0x20, s21, s8, $0xb8;
	[tilespmem:$0x8400] =	vst v63  }
0x57: {  	_ =	swait.ge [sflag:s23], $0x1000  }
0x58: {  	[sflag:s23] =	ssyncset.done $0x0  }
0x59: {  	[sflag:s23] =	ssyncadd.s32 $0xFFFFF000  }
0x5a: {  	_ =	swait.ge [sflag:s23], $0x1000  }
0x5b: {  	[sflag:s23] =	ssyncset.done $0x0  }
0x5c: {  	[sflag:s23] =	ssyncadd.s32 $0xFFFFF000  }
0x5d: {  	_ =	swait.ge [sflag:s23], $0x1000  }
0x5e: {  	[sflag:s23] =	ssyncset.done $0x0  }
0x5f: {  	[sflag:s23] =	ssyncadd.s32 $0xFFFFF000  }
0x60: {  	_ =	swait.ge [sflag:s23], $0x1000  }
0x61: {  	[sflag:s23] =	ssyncset.done $0x0  }
0x62: {  	[sflag:s23] =	ssyncadd.s32 $0xFFFFF000  }
0x63: {  	_ =	swait.ge [sflag:s23], $0x1000  }
0x64: {  	[sflag:s23] =	ssyncset.done $0x0  }
0x65: {  	[sflag:s23] =	ssyncadd.s32 $0xFFFFF000  }
0x66: {  	_ =	swait.ge [sflag:s23], $0x1000  }
0x67: {  	[sflag:s23] =	ssyncset.done $0x0  }
0x68: {  	[sflag:s23] =	ssyncadd.s32 $0xFFFFF000  }
0x69: {  	_ =	swait.ge [sflag:s23], $0x1000  }
0x6a: {  	[sflag:s23] =	ssyncset.done $0x0  }
0x6b: {  	[sflag:s23] =	ssyncadd.s32 $0xFFFFF000  }
0x6c: {  	_ =	swait.ge [sflag:s23], $0x1000  }
0x6d: {  	[sflag:s23] =	ssyncset.done $0x0  }
0x6e: {  	[sflag:s23] =	ssyncadd.s32 $0xFFFFF000  }
0x6f: {  	[hbm4b:s24+s25] =	stream.strided.scatter [tilespmem:s9], [sflag:$0x2], $0x4000, s8, s25, $0x38;
	[tilespmem:$0x8400] =	vst v63  }
0x70: {  	_ = 	snop  }
0x71: {  	[hbm4b:s26+s25] =	stream.strided.scatter [tilespmem:s11], [sflag:$0x2], $0x4000, s8, s25, $0x38;
	[tilespmem:$0x8400] =	vst v63  }
.Ltmp1:
0x72: {  	_ =	swait.ge [sflag:s28], $0x4000;
	(pc) =	sbr.rel @p0 .LBB2_1-.Ltmp1, $4  }
0x73: {  	[sflag:s28] =	ssyncset.done $0x0  }
0x74: {  	[sflag:s28] =	ssyncadd.s32 $0xFFFFC000  }
0x75: {  	_ =	swait.ge [sflag:s28], $0x4000  }
0x76: {  	[sflag:s28] =	ssyncset.done $0x0  }
.LBB2_2:
0x77: {  	[sflag:s28] =	ssyncadd.s32 $0xFFFFC000  }
0x78: {  	_ =	sfence.sel $0x180000  }
0x79: {  	[bflag:$0x0] =	sbarrier.arrive $0xFFFF  }
0x7a: {  	p0 =	sne.s32 s0, $0x0;
	_ =	strace $0x90000047  }
0x7b: {  	s0 =	sadd.s32 @!p0 $0x100000, s1;
	[bflag:$0x2] =	sbarrier.arrive $0xFFFF  }
0x7c: {  	[sflag:s0] =	ssyncadd.tile.s32 @!p0 $0x1;
	_ =	shalt  }
.Lfunc_end2:
_tile_overlayer_lowered:
.L_overlay_start_2:
0x7d: {  	(tag) =	ssettag $0x2  }
0x7e: {  	s0 =	rddreg [dreg:$0x0];
	s2 =	stileid.u32  }
0x7f: {  	s1 =	rddreg [dreg:$0x1];
	p0 =	sne.s32 s2, $0x0  }
0x80: {  	s3 =	rddreg [dreg:$0x2];
	[bflag:$0x3] =	sbarrier.arrive $0xFFFF;
	s2 =	simm.s32 @!p0 $0x1C03  }
0x81: {  	[timem:s3], [sflag:s2] =	dma.local @!p0 [hbm:s0], s1  }
0x82: {  	s0 =	simm.s32 @!p0 $0x3  }
0x83: {  	_ =	swait.ge @!p0 [sflag:s0], s1  }
0x84: {  	s1 =	ssub.s32 @!p0 $0x0, s1;
	[sflag:s0] =	ssyncset.done @!p0 $0x0  }
0x85: {  	[sflag:s0] =	ssyncadd.s32 @!p0 s1  }
0x86: {  	[bflag:$0x3] =	sbarrier.arrive $0xFFFF  }
0x87: {  	_ =	shalt  }

</sc_bundles>
